<compile_context>
chip_gen: v7x
topology: tpu7x:2x2x1
jax: 0.10.2.dev20260603
libtpu: 0.0.44.dev20260713+nightly
codegen_flags: <defaults>
</compile_context>

<pallas_src>
import functools

import jax
import jax.numpy as jnp
from jax import lax
from jax.experimental import pallas as pl
from jax.experimental.pallas import tpu as pltpu
from jax.experimental.pallas import tpu_sc as plsc

_K = 1_000_000
_D = 64
_B = 16384
_TOTAL = _B * _D


def _sc_gather(centers_flat, x_flat):
    info = plsc.get_sparse_core_info()
    nc, ns = info.num_cores, info.num_subcores
    nw = nc * ns
    cpw = _TOTAL // nw

    mesh = plsc.VectorSubcoreMesh(core_axis_name="c", subcore_axis_name="s")

    @functools.partial(
        pl.kernel,
        mesh=mesh,
        out_type=jax.ShapeDtypeStruct((_TOTAL,), jnp.float32),
        scratch_types=[
            pltpu.VMEM((cpw,), jnp.int32),
            pltpu.VMEM((cpw,), jnp.float32),
            pltpu.SemaphoreType.DMA,
        ],
    )
    def k(tbl_hbm, x_hbm, out_hbm, idx_v, val_v, sem):
        wid = lax.axis_index("s") * nc + lax.axis_index("c")
        base = wid * cpw
        pltpu.sync_copy(x_hbm.at[pl.ds(base, cpw)], idx_v)

        lanes = lax.iota(jnp.int32, 16)

        nwin = 4
        wsz = cpw // nwin

        def cbody(g, carry):
            p = g * _D
            for c0 in range(0, _D, 16):
                j = lanes + c0
                v = idx_v[pl.ds(p + c0, 16)]
                idx_v[pl.ds(p + c0, 16)] = (v << 6) + j
            return carry

        copies = []
        for w in range(nwin):
            lax.fori_loop(w * (wsz // _D), (w + 1) * (wsz // _D), cbody, 0)
            copies.append(
                pltpu.async_copy(
                    tbl_hbm.at[idx_v.at[pl.ds(w * wsz, wsz)]],
                    val_v.at[pl.ds(w * wsz, wsz)],
                    sem,
                )
            )
        for cp in copies:
            cp.wait()

        pltpu.sync_copy(val_v, out_hbm.at[pl.ds(base, cpw)])

    return k(centers_flat, x_flat)


def kernel(centers, x):
    centers_flat = centers.reshape(_K * _D)
    x_flat = x.astype(jnp.int32).reshape(_TOTAL)
    out = _sc_gather(centers_flat, x_flat)
    return out.reshape(_B, _D)

# --- scband reference (transcript-rebuilt; emitter-appended) ---
"""Pipeline reference for scband-kmeans-extractor-69965017252469 (READ-ONLY COPY).

The authoritative reference and input builder live on the scoring server;
editing this copy changes nothing except your own understanding.
"""

import jax, jax.numpy as jnp
import numpy as np

K = 1000000
D = 64
B = 16384

def setup_inputs(seed: int = 0) -> dict:
    key = jax.random.key(seed)
    k1, k2 = jax.random.split(key)
    centers = jax.random.normal(k1, (K, D), dtype=jnp.float32)
    x = jax.random.randint(k2, (B, D), 0, K, dtype=jnp.int64)
    return {"centers": centers, "x": x}

def reference(centers, x):
    # torch.gather(centers, 0, x): out[i, j] = centers[x[i, j], j]
    out = jnp.take_along_axis(centers, x, axis=0)
    return out

if __name__ == "__main__":
    import jax
    _d = setup_inputs()
    print(jax.jit(kernel)(*tuple(_d.values())))

</pallas_src>

<mosaic_0001>
#map = affine_map<(d0, d1) -> (0)>
module attributes {stable_mosaic.version = 14 : i64} {
  func.func @k(%arg0: i32, %arg1: i32, %arg2: memref<64000000xf32, #tpu.memory_space<hbm>>, %arg3: memref<1048576xi32, #tpu.memory_space<hbm>>, %arg4: memref<1048576xf32, #tpu.memory_space<hbm>>, %arg5: memref<32768xi32, #tpu.memory_space<vmem>>, %arg6: memref<32768xf32, #tpu.memory_space<vmem>>, %arg7: memref<!tpu.dma_semaphore, #tpu.memory_space<semaphore_mem>>) attributes {dimension_semantics = [#tpu.dimension_semantics<core_parallel>, #tpu.dimension_semantics<subcore_parallel>], iteration_bounds = array<i64: 2, 16>, scalar_prefetch = 0 : i64, scratch_operands = 3 : i64, tpu.core_type = #tpu.core_type<sc_vector_subcore>, window_params = [{transform_indices = #map}, {transform_indices = #map}, {transform_indices = #map}]} {
    %mul3A = arith.constant 2 : i32
    %mul3A_0 = arith.muli %arg1, %mul3A : i32
    %add3A = arith.addi %mul3A_0, %arg0 : i32
    %mul3A_1 = arith.constant 32768 : i32
    %mul3A_2 = arith.muli %add3A, %mul3A_1 : i32
    "tpu.region"() ({
      %run_scoped3A = tpu.sem_alloc : memref<!tpu.dma_semaphore, #tpu.memory_space<semaphore_mem>>
      %dma_start3A_72 = tpu.memref_slice %arg3[%mul3A_2] : memref<1048576xi32, #tpu.memory_space<hbm>> -> memref<32768xi32, #tpu.memory_space<hbm>>
      %dma_start3A_73 = tpu.memref_slice %arg3[%mul3A_2] : memref<1048576xi32, #tpu.memory_space<hbm>> -> memref<32768xi32, #tpu.memory_space<hbm>>
      tpu.enqueue_dma source(%dma_start3A_73 : memref<32768xi32, #tpu.memory_space<hbm>>) target(%arg5 : memref<32768xi32, #tpu.memory_space<vmem>>) target_semaphore(%run_scoped3A : memref<!tpu.dma_semaphore, #tpu.memory_space<semaphore_mem>>)
      %dma_wait3A_74 = tpu.memref_slice %arg3[%mul3A_2] : memref<1048576xi32, #tpu.memory_space<hbm>> -> memref<32768xi32, #tpu.memory_space<hbm>>
      %dma_wait3A_75 = tpu.memref_slice %arg3[%mul3A_2] : memref<1048576xi32, #tpu.memory_space<hbm>> -> memref<32768xi32, #tpu.memory_space<hbm>>
      tpu.wait_dma2 semaphore(%run_scoped3A : memref<!tpu.dma_semaphore, #tpu.memory_space<semaphore_mem>>) src(%dma_wait3A_75 : memref<32768xi32, #tpu.memory_space<hbm>>) dst(%arg5 : memref<32768xi32, #tpu.memory_space<vmem>>)
      tpu.yield
    }) : () -> ()
    %iota3A = tpu.iota {dimensions = array<i32: 0>} : vector<16xi32>
    %scan3A = arith.constant 0 : i32
    %scan3A_3 = arith.constant 0 : i32
    %scan3A_4 = arith.constant 128 : i32
    %scan3A_5 = arith.addi %scan3A_3, %scan3A_4 : i32
    %scan3A_6 = arith.constant 1 : i32
    scf.for %scan3A_72 = %scan3A_3 to %scan3A_5 step %scan3A_6  : i32 {
      %mul3A_73 = arith.constant 64 : i32
      %mul3A_74 = arith.muli %scan3A_72, %mul3A_73 : i32
      %add3A_75 = arith.constant 0 : i32
      %add3A_76 = vector.broadcast %add3A_75 : i32 to vector<16xi32>
      %add3A_77 = arith.addi %iota3A, %add3A_76 : vector<16xi32>
      %add3A_78 = arith.constant 0 : i32
      %add3A_79 = arith.addi %mul3A_74, %add3A_78 : i32
      %get3A = arith.index_cast %add3A_79 : i32 to index
      %get3A_80 = tpu.vector_load %arg5[%get3A] {strides = array<i32>} : memref<32768xi32, #tpu.memory_space<vmem>>, vector<16xi32>,
      %get3A_81 = vector.shape_cast %get3A_80 : vector<16xi32> to vector<16xi32>
      %shift_left3A = arith.constant 6 : i32
      %shift_left3A_82 = vector.broadcast %shift_left3A : i32 to vector<16xi32>
      %shift_left3A_83 = arith.shli %get3A_81, %shift_left3A_82 : vector<16xi32>
      %add3A_84 = arith.addi %shift_left3A_83, %add3A_77 : vector<16xi32>
      %add3A_85 = arith.constant 0 : i32
      %add3A_86 = arith.addi %mul3A_74, %add3A_85 : i32
      %swap3A = arith.index_cast %add3A_86 : i32 to index
      %swap3A_87 = tpu.vector_load %arg5[%swap3A] {strides = array<i32>} : memref<32768xi32, #tpu.memory_space<vmem>>, vector<16xi32>,
      %swap3A_88 = vector.shape_cast %swap3A_87 : vector<16xi32> to vector<16xi32>
      %swap3A_89 = vector.shape_cast %add3A_84 : vector<16xi32> to vector<16xi32>
      tpu.vector_store %arg5[%swap3A], %swap3A_89 {strides = array<i32>} : memref<32768xi32, #tpu.memory_space<vmem>>, vector<16xi32>,
      %add3A_90 = arith.constant 16 : i32
      %add3A_91 = vector.broadcast %add3A_90 : i32 to vector<16xi32>
      %add3A_92 = arith.addi %iota3A, %add3A_91 : vector<16xi32>
      %add3A_93 = arith.constant 16 : i32
      %add3A_94 = arith.addi %mul3A_74, %add3A_93 : i32
      %get3A_95 = arith.index_cast %add3A_94 : i32 to index
      %get3A_96 = tpu.vector_load %arg5[%get3A_95] {strides = array<i32>} : memref<32768xi32, #tpu.memory_space<vmem>>, vector<16xi32>,
      %get3A_97 = vector.shape_cast %get3A_96 : vector<16xi32> to vector<16xi32>
      %shift_left3A_98 = arith.constant 6 : i32
      %shift_left3A_99 = vector.broadcast %shift_left3A_98 : i32 to vector<16xi32>
      %shift_left3A_100 = arith.shli %get3A_97, %shift_left3A_99 : vector<16xi32>
      %add3A_101 = arith.addi %shift_left3A_100, %add3A_92 : vector<16xi32>
      %add3A_102 = arith.constant 16 : i32
      %add3A_103 = arith.addi %mul3A_74, %add3A_102 : i32
      %swap3A_104 = arith.index_cast %add3A_103 : i32 to index
      %swap3A_105 = tpu.vector_load %arg5[%swap3A_104] {strides = array<i32>} : memref<32768xi32, #tpu.memory_space<vmem>>, vector<16xi32>,
      %swap3A_106 = vector.shape_cast %swap3A_105 : vector<16xi32> to vector<16xi32>
      %swap3A_107 = vector.shape_cast %add3A_101 : vector<16xi32> to vector<16xi32>
      tpu.vector_store %arg5[%swap3A_104], %swap3A_107 {strides = array<i32>} : memref<32768xi32, #tpu.memory_space<vmem>>, vector<16xi32>,
      %add3A_108 = arith.constant 32 : i32
      %add3A_109 = vector.broadcast %add3A_108 : i32 to vector<16xi32>
      %add3A_110 = arith.addi %iota3A, %add3A_109 : vector<16xi32>
      %add3A_111 = arith.constant 32 : i32
      %add3A_112 = arith.addi %mul3A_74, %add3A_111 : i32
      %get3A_113 = arith.index_cast %add3A_112 : i32 to index
      %get3A_114 = tpu.vector_load %arg5[%get3A_113] {strides = array<i32>} : memref<32768xi32, #tpu.memory_space<vmem>>, vector<16xi32>,
      %get3A_115 = vector.shape_cast %get3A_114 : vector<16xi32> to vector<16xi32>
      %shift_left3A_116 = arith.constant 6 : i32
      %shift_left3A_117 = vector.broadcast %shift_left3A_116 : i32 to vector<16xi32>
      %shift_left3A_118 = arith.shli %get3A_115, %shift_left3A_117 : vector<16xi32>
      %add3A_119 = arith.addi %shift_left3A_118, %add3A_110 : vector<16xi32>
      %add3A_120 = arith.constant 32 : i32
      %add3A_121 = arith.addi %mul3A_74, %add3A_120 : i32
      %swap3A_122 = arith.index_cast %add3A_121 : i32 to index
      %swap3A_123 = tpu.vector_load %arg5[%swap3A_122] {strides = array<i32>} : memref<32768xi32, #tpu.memory_space<vmem>>, vector<16xi32>,
      %swap3A_124 = vector.shape_cast %swap3A_123 : vector<16xi32> to vector<16xi32>
      %swap3A_125 = vector.shape_cast %add3A_119 : vector<16xi32> to vector<16xi32>
      tpu.vector_store %arg5[%swap3A_122], %swap3A_125 {strides = array<i32>} : memref<32768xi32, #tpu.memory_space<vmem>>, vector<16xi32>,
      %add3A_126 = arith.constant 48 : i32
      %add3A_127 = vector.broadcast %add3A_126 : i32 to vector<16xi32>
      %add3A_128 = arith.addi %iota3A, %add3A_127 : vector<16xi32>
      %add3A_129 = arith.constant 48 : i32
      %add3A_130 = arith.addi %mul3A_74, %add3A_129 : i32
      %get3A_131 = arith.index_cast %add3A_130 : i32 to index
      %get3A_132 = tpu.vector_load %arg5[%get3A_131] {strides = array<i32>} : memref<32768xi32, #tpu.memory_space<vmem>>, vector<16xi32>,
      %get3A_133 = vector.shape_cast %get3A_132 : vector<16xi32> to vector<16xi32>
      %shift_left3A_134 = arith.constant 6 : i32
      %shift_left3A_135 = vector.broadcast %shift_left3A_134 : i32 to vector<16xi32>
      %shift_left3A_136 = arith.shli %get3A_133, %shift_left3A_135 : vector<16xi32>
      %add3A_137 = arith.addi %shift_left3A_136, %add3A_128 : vector<16xi32>
      %add3A_138 = arith.constant 48 : i32
      %add3A_139 = arith.addi %mul3A_74, %add3A_138 : i32
      %swap3A_140 = arith.index_cast %add3A_139 : i32 to index
      %swap3A_141 = tpu.vector_load %arg5[%swap3A_140] {strides = array<i32>} : memref<32768xi32, #tpu.memory_space<vmem>>, vector<16xi32>,
      %swap3A_142 = vector.shape_cast %swap3A_141 : vector<16xi32> to vector<16xi32>
      %swap3A_143 = vector.shape_cast %add3A_137 : vector<16xi32> to vector<16xi32>
      tpu.vector_store %arg5[%swap3A_140], %swap3A_143 {strides = array<i32>} : memref<32768xi32, #tpu.memory_space<vmem>>, vector<16xi32>,
    }
    %scan3A_7 = arith.constant 128 : i32
    %dma_start3A = arith.constant 0 : i32
    %dma_start3A_8 = tpu.memref_slice %arg6[%dma_start3A] : memref<32768xf32, #tpu.memory_space<vmem>> -> memref<8192xf32, #tpu.memory_space<vmem>>
    %dma_start3A_9 = arith.constant 0 : i32
    %dma_start3A_10 = tpu.memref_slice %arg5[%dma_start3A_9] : memref<32768xi32, #tpu.memory_space<vmem>> -> memref<8192xi32, #tpu.memory_space<vmem>>
    %dma_start3A_11 = arith.constant 0 : i32
    %dma_start3A_12 = tpu.memref_slice %arg2[%dma_start3A_11] : memref<64000000xf32, #tpu.memory_space<hbm>> -> memref<64000000xf32, #tpu.memory_space<hbm>>
    tpu.enqueue_indirect_dma source(%dma_start3A_12 : memref<64000000xf32, #tpu.memory_space<hbm>>) target(%dma_start3A_8 : memref<8192xf32, #tpu.memory_space<vmem>>) offsets(%dma_start3A_10 : memref<8192xi32, #tpu.memory_space<vmem>>) semaphore(%arg7 : memref<!tpu.dma_semaphore, #tpu.memory_space<semaphore_mem>>)
    %scan3A_13 = arith.constant 0 : i32
    %scan3A_14 = arith.constant 128 : i32
    %scan3A_15 = arith.constant 128 : i32
    %scan3A_16 = arith.addi %scan3A_14, %scan3A_15 : i32
    %scan3A_17 = arith.constant 1 : i32
    scf.for %scan3A_72 = %scan3A_14 to %scan3A_16 step %scan3A_17  : i32 {
      %mul3A_73 = arith.constant 64 : i32
      %mul3A_74 = arith.muli %scan3A_72, %mul3A_73 : i32
      %add3A_75 = arith.constant 0 : i32
      %add3A_76 = vector.broadcast %add3A_75 : i32 to vector<16xi32>
      %add3A_77 = arith.addi %iota3A, %add3A_76 : vector<16xi32>
      %add3A_78 = arith.constant 0 : i32
      %add3A_79 = arith.addi %mul3A_74, %add3A_78 : i32
      %get3A = arith.index_cast %add3A_79 : i32 to index
      %get3A_80 = tpu.vector_load %arg5[%get3A] {strides = array<i32>} : memref<32768xi32, #tpu.memory_space<vmem>>, vector<16xi32>,
      %get3A_81 = vector.shape_cast %get3A_80 : vector<16xi32> to vector<16xi32>
      %shift_left3A = arith.constant 6 : i32
      %shift_left3A_82 = vector.broadcast %shift_left3A : i32 to vector<16xi32>
      %shift_left3A_83 = arith.shli %get3A_81, %shift_left3A_82 : vector<16xi32>
      %add3A_84 = arith.addi %shift_left3A_83, %add3A_77 : vector<16xi32>
      %add3A_85 = arith.constant 0 : i32
      %add3A_86 = arith.addi %mul3A_74, %add3A_85 : i32
      %swap3A = arith.index_cast %add3A_86 : i32 to index
      %swap3A_87 = tpu.vector_load %arg5[%swap3A] {strides = array<i32>} : memref<32768xi32, #tpu.memory_space<vmem>>, vector<16xi32>,
      %swap3A_88 = vector.shape_cast %swap3A_87 : vector<16xi32> to vector<16xi32>
      %swap3A_89 = vector.shape_cast %add3A_84 : vector<16xi32> to vector<16xi32>
      tpu.vector_store %arg5[%swap3A], %swap3A_89 {strides = array<i32>} : memref<32768xi32, #tpu.memory_space<vmem>>, vector<16xi32>,
      %add3A_90 = arith.constant 16 : i32
      %add3A_91 = vector.broadcast %add3A_90 : i32 to vector<16xi32>
      %add3A_92 = arith.addi %iota3A, %add3A_91 : vector<16xi32>
      %add3A_93 = arith.constant 16 : i32
      %add3A_94 = arith.addi %mul3A_74, %add3A_93 : i32
      %get3A_95 = arith.index_cast %add3A_94 : i32 to index
      %get3A_96 = tpu.vector_load %arg5[%get3A_95] {strides = array<i32>} : memref<32768xi32, #tpu.memory_space<vmem>>, vector<16xi32>,
      %get3A_97 = vector.shape_cast %get3A_96 : vector<16xi32> to vector<16xi32>
      %shift_left3A_98 = arith.constant 6 : i32
      %shift_left3A_99 = vector.broadcast %shift_left3A_98 : i32 to vector<16xi32>
      %shift_left3A_100 = arith.shli %get3A_97, %shift_left3A_99 : vector<16xi32>
      %add3A_101 = arith.addi %shift_left3A_100, %add3A_92 : vector<16xi32>
      %add3A_102 = arith.constant 16 : i32
      %add3A_103 = arith.addi %mul3A_74, %add3A_102 : i32
      %swap3A_104 = arith.index_cast %add3A_103 : i32 to index
      %swap3A_105 = tpu.vector_load %arg5[%swap3A_104] {strides = array<i32>} : memref<32768xi32, #tpu.memory_space<vmem>>, vector<16xi32>,
      %swap3A_106 = vector.shape_cast %swap3A_105 : vector<16xi32> to vector<16xi32>
      %swap3A_107 = vector.shape_cast %add3A_101 : vector<16xi32> to vector<16xi32>
      tpu.vector_store %arg5[%swap3A_104], %swap3A_107 {strides = array<i32>} : memref<32768xi32, #tpu.memory_space<vmem>>, vector<16xi32>,
      %add3A_108 = arith.constant 32 : i32
      %add3A_109 = vector.broadcast %add3A_108 : i32 to vector<16xi32>
      %add3A_110 = arith.addi %iota3A, %add3A_109 : vector<16xi32>
      %add3A_111 = arith.constant 32 : i32
      %add3A_112 = arith.addi %mul3A_74, %add3A_111 : i32
      %get3A_113 = arith.index_cast %add3A_112 : i32 to index
      %get3A_114 = tpu.vector_load %arg5[%get3A_113] {strides = array<i32>} : memref<32768xi32, #tpu.memory_space<vmem>>, vector<16xi32>,
      %get3A_115 = vector.shape_cast %get3A_114 : vector<16xi32> to vector<16xi32>
      %shift_left3A_116 = arith.constant 6 : i32
      %shift_left3A_117 = vector.broadcast %shift_left3A_116 : i32 to vector<16xi32>
      %shift_left3A_118 = arith.shli %get3A_115, %shift_left3A_117 : vector<16xi32>
      %add3A_119 = arith.addi %shift_left3A_118, %add3A_110 : vector<16xi32>
      %add3A_120 = arith.constant 32 : i32
      %add3A_121 = arith.addi %mul3A_74, %add3A_120 : i32
      %swap3A_122 = arith.index_cast %add3A_121 : i32 to index
      %swap3A_123 = tpu.vector_load %arg5[%swap3A_122] {strides = array<i32>} : memref<32768xi32, #tpu.memory_space<vmem>>, vector<16xi32>,
      %swap3A_124 = vector.shape_cast %swap3A_123 : vector<16xi32> to vector<16xi32>
      %swap3A_125 = vector.shape_cast %add3A_119 : vector<16xi32> to vector<16xi32>
      tpu.vector_store %arg5[%swap3A_122], %swap3A_125 {strides = array<i32>} : memref<32768xi32, #tpu.memory_space<vmem>>, vector<16xi32>,
      %add3A_126 = arith.constant 48 : i32
      %add3A_127 = vector.broadcast %add3A_126 : i32 to vector<16xi32>
      %add3A_128 = arith.addi %iota3A, %add3A_127 : vector<16xi32>
      %add3A_129 = arith.constant 48 : i32
      %add3A_130 = arith.addi %mul3A_74, %add3A_129 : i32
      %get3A_131 = arith.index_cast %add3A_130 : i32 to index
      %get3A_132 = tpu.vector_load %arg5[%get3A_131] {strides = array<i32>} : memref<32768xi32, #tpu.memory_space<vmem>>, vector<16xi32>,
      %get3A_133 = vector.shape_cast %get3A_132 : vector<16xi32> to vector<16xi32>
      %shift_left3A_134 = arith.constant 6 : i32
      %shift_left3A_135 = vector.broadcast %shift_left3A_134 : i32 to vector<16xi32>
      %shift_left3A_136 = arith.shli %get3A_133, %shift_left3A_135 : vector<16xi32>
      %add3A_137 = arith.addi %shift_left3A_136, %add3A_128 : vector<16xi32>
      %add3A_138 = arith.constant 48 : i32
      %add3A_139 = arith.addi %mul3A_74, %add3A_138 : i32
      %swap3A_140 = arith.index_cast %add3A_139 : i32 to index
      %swap3A_141 = tpu.vector_load %arg5[%swap3A_140] {strides = array<i32>} : memref<32768xi32, #tpu.memory_space<vmem>>, vector<16xi32>,
      %swap3A_142 = vector.shape_cast %swap3A_141 : vector<16xi32> to vector<16xi32>
      %swap3A_143 = vector.shape_cast %add3A_137 : vector<16xi32> to vector<16xi32>
      tpu.vector_store %arg5[%swap3A_140], %swap3A_143 {strides = array<i32>} : memref<32768xi32, #tpu.memory_space<vmem>>, vector<16xi32>,
    }
    %scan3A_18 = arith.constant 128 : i32
    %dma_start3A_19 = arith.constant 8192 : i32
    %dma_start3A_20 = tpu.memref_slice %arg6[%dma_start3A_19] : memref<32768xf32, #tpu.memory_space<vmem>> -> memref<8192xf32, #tpu.memory_space<vmem>>
    %dma_start3A_21 = arith.constant 8192 : i32
    %dma_start3A_22 = tpu.memref_slice %arg5[%dma_start3A_21] : memref<32768xi32, #tpu.memory_space<vmem>> -> memref<8192xi32, #tpu.memory_space<vmem>>
    %dma_start3A_23 = arith.constant 0 : i32
    %dma_start3A_24 = tpu.memref_slice %arg2[%dma_start3A_23] : memref<64000000xf32, #tpu.memory_space<hbm>> -> memref<64000000xf32, #tpu.memory_space<hbm>>
    tpu.enqueue_indirect_dma source(%dma_start3A_24 : memref<64000000xf32, #tpu.memory_space<hbm>>) target(%dma_start3A_20 : memref<8192xf32, #tpu.memory_space<vmem>>) offsets(%dma_start3A_22 : memref<8192xi32, #tpu.memory_space<vmem>>) semaphore(%arg7 : memref<!tpu.dma_semaphore, #tpu.memory_space<semaphore_mem>>)
    %scan3A_25 = arith.constant 0 : i32
    %scan3A_26 = arith.constant 256 : i32
    %scan3A_27 = arith.constant 128 : i32
    %scan3A_28 = arith.addi %scan3A_26, %scan3A_27 : i32
    %scan3A_29 = arith.constant 1 : i32
    scf.for %scan3A_72 = %scan3A_26 to %scan3A_28 step %scan3A_29  : i32 {
      %mul3A_73 = arith.constant 64 : i32
      %mul3A_74 = arith.muli %scan3A_72, %mul3A_73 : i32
      %add3A_75 = arith.constant 0 : i32
      %add3A_76 = vector.broadcast %add3A_75 : i32 to vector<16xi32>
      %add3A_77 = arith.addi %iota3A, %add3A_76 : vector<16xi32>
      %add3A_78 = arith.constant 0 : i32
      %add3A_79 = arith.addi %mul3A_74, %add3A_78 : i32
      %get3A = arith.index_cast %add3A_79 : i32 to index
      %get3A_80 = tpu.vector_load %arg5[%get3A] {strides = array<i32>} : memref<32768xi32, #tpu.memory_space<vmem>>, vector<16xi32>,
      %get3A_81 = vector.shape_cast %get3A_80 : vector<16xi32> to vector<16xi32>
      %shift_left3A = arith.constant 6 : i32
      %shift_left3A_82 = vector.broadcast %shift_left3A : i32 to vector<16xi32>
      %shift_left3A_83 = arith.shli %get3A_81, %shift_left3A_82 : vector<16xi32>
      %add3A_84 = arith.addi %shift_left3A_83, %add3A_77 : vector<16xi32>
      %add3A_85 = arith.constant 0 : i32
      %add3A_86 = arith.addi %mul3A_74, %add3A_85 : i32
      %swap3A = arith.index_cast %add3A_86 : i32 to index
      %swap3A_87 = tpu.vector_load %arg5[%swap3A] {strides = array<i32>} : memref<32768xi32, #tpu.memory_space<vmem>>, vector<16xi32>,
      %swap3A_88 = vector.shape_cast %swap3A_87 : vector<16xi32> to vector<16xi32>
      %swap3A_89 = vector.shape_cast %add3A_84 : vector<16xi32> to vector<16xi32>
      tpu.vector_store %arg5[%swap3A], %swap3A_89 {strides = array<i32>} : memref<32768xi32, #tpu.memory_space<vmem>>, vector<16xi32>,
      %add3A_90 = arith.constant 16 : i32
      %add3A_91 = vector.broadcast %add3A_90 : i32 to vector<16xi32>
      %add3A_92 = arith.addi %iota3A, %add3A_91 : vector<16xi32>
      %add3A_93 = arith.constant 16 : i32
      %add3A_94 = arith.addi %mul3A_74, %add3A_93 : i32
      %get3A_95 = arith.index_cast %add3A_94 : i32 to index
      %get3A_96 = tpu.vector_load %arg5[%get3A_95] {strides = array<i32>} : memref<32768xi32, #tpu.memory_space<vmem>>, vector<16xi32>,
      %get3A_97 = vector.shape_cast %get3A_96 : vector<16xi32> to vector<16xi32>
      %shift_left3A_98 = arith.constant 6 : i32
      %shift_left3A_99 = vector.broadcast %shift_left3A_98 : i32 to vector<16xi32>
      %shift_left3A_100 = arith.shli %get3A_97, %shift_left3A_99 : vector<16xi32>
      %add3A_101 = arith.addi %shift_left3A_100, %add3A_92 : vector<16xi32>
      %add3A_102 = arith.constant 16 : i32
      %add3A_103 = arith.addi %mul3A_74, %add3A_102 : i32
      %swap3A_104 = arith.index_cast %add3A_103 : i32 to index
      %swap3A_105 = tpu.vector_load %arg5[%swap3A_104] {strides = array<i32>} : memref<32768xi32, #tpu.memory_space<vmem>>, vector<16xi32>,
      %swap3A_106 = vector.shape_cast %swap3A_105 : vector<16xi32> to vector<16xi32>
      %swap3A_107 = vector.shape_cast %add3A_101 : vector<16xi32> to vector<16xi32>
      tpu.vector_store %arg5[%swap3A_104], %swap3A_107 {strides = array<i32>} : memref<32768xi32, #tpu.memory_space<vmem>>, vector<16xi32>,
      %add3A_108 = arith.constant 32 : i32
      %add3A_109 = vector.broadcast %add3A_108 : i32 to vector<16xi32>
      %add3A_110 = arith.addi %iota3A, %add3A_109 : vector<16xi32>
      %add3A_111 = arith.constant 32 : i32
      %add3A_112 = arith.addi %mul3A_74, %add3A_111 : i32
      %get3A_113 = arith.index_cast %add3A_112 : i32 to index
      %get3A_114 = tpu.vector_load %arg5[%get3A_113] {strides = array<i32>} : memref<32768xi32, #tpu.memory_space<vmem>>, vector<16xi32>,
      %get3A_115 = vector.shape_cast %get3A_114 : vector<16xi32> to vector<16xi32>
      %shift_left3A_116 = arith.constant 6 : i32
      %shift_left3A_117 = vector.broadcast %shift_left3A_116 : i32 to vector<16xi32>
      %shift_left3A_118 = arith.shli %get3A_115, %shift_left3A_117 : vector<16xi32>
      %add3A_119 = arith.addi %shift_left3A_118, %add3A_110 : vector<16xi32>
      %add3A_120 = arith.constant 32 : i32
      %add3A_121 = arith.addi %mul3A_74, %add3A_120 : i32
      %swap3A_122 = arith.index_cast %add3A_121 : i32 to index
      %swap3A_123 = tpu.vector_load %arg5[%swap3A_122] {strides = array<i32>} : memref<32768xi32, #tpu.memory_space<vmem>>, vector<16xi32>,
      %swap3A_124 = vector.shape_cast %swap3A_123 : vector<16xi32> to vector<16xi32>
      %swap3A_125 = vector.shape_cast %add3A_119 : vector<16xi32> to vector<16xi32>
      tpu.vector_store %arg5[%swap3A_122], %swap3A_125 {strides = array<i32>} : memref<32768xi32, #tpu.memory_space<vmem>>, vector<16xi32>,
      %add3A_126 = arith.constant 48 : i32
      %add3A_127 = vector.broadcast %add3A_126 : i32 to vector<16xi32>
      %add3A_128 = arith.addi %iota3A, %add3A_127 : vector<16xi32>
      %add3A_129 = arith.constant 48 : i32
      %add3A_130 = arith.addi %mul3A_74, %add3A_129 : i32
      %get3A_131 = arith.index_cast %add3A_130 : i32 to index
      %get3A_132 = tpu.vector_load %arg5[%get3A_131] {strides = array<i32>} : memref<32768xi32, #tpu.memory_space<vmem>>, vector<16xi32>,
      %get3A_133 = vector.shape_cast %get3A_132 : vector<16xi32> to vector<16xi32>
      %shift_left3A_134 = arith.constant 6 : i32
      %shift_left3A_135 = vector.broadcast %shift_left3A_134 : i32 to vector<16xi32>
      %shift_left3A_136 = arith.shli %get3A_133, %shift_left3A_135 : vector<16xi32>
      %add3A_137 = arith.addi %shift_left3A_136, %add3A_128 : vector<16xi32>
      %add3A_138 = arith.constant 48 : i32
      %add3A_139 = arith.addi %mul3A_74, %add3A_138 : i32
      %swap3A_140 = arith.index_cast %add3A_139 : i32 to index
      %swap3A_141 = tpu.vector_load %arg5[%swap3A_140] {strides = array<i32>} : memref<32768xi32, #tpu.memory_space<vmem>>, vector<16xi32>,
      %swap3A_142 = vector.shape_cast %swap3A_141 : vector<16xi32> to vector<16xi32>
      %swap3A_143 = vector.shape_cast %add3A_137 : vector<16xi32> to vector<16xi32>
      tpu.vector_store %arg5[%swap3A_140], %swap3A_143 {strides = array<i32>} : memref<32768xi32, #tpu.memory_space<vmem>>, vector<16xi32>,
    }
    %scan3A_30 = arith.constant 128 : i32
    %dma_start3A_31 = arith.constant 16384 : i32
    %dma_start3A_32 = tpu.memref_slice %arg6[%dma_start3A_31] : memref<32768xf32, #tpu.memory_space<vmem>> -> memref<8192xf32, #tpu.memory_space<vmem>>
    %dma_start3A_33 = arith.constant 16384 : i32
    %dma_start3A_34 = tpu.memref_slice %arg5[%dma_start3A_33] : memref<32768xi32, #tpu.memory_space<vmem>> -> memref<8192xi32, #tpu.memory_space<vmem>>
    %dma_start3A_35 = arith.constant 0 : i32
    %dma_start3A_36 = tpu.memref_slice %arg2[%dma_start3A_35] : memref<64000000xf32, #tpu.memory_space<hbm>> -> memref<64000000xf32, #tpu.memory_space<hbm>>
    tpu.enqueue_indirect_dma source(%dma_start3A_36 : memref<64000000xf32, #tpu.memory_space<hbm>>) target(%dma_start3A_32 : memref<8192xf32, #tpu.memory_space<vmem>>) offsets(%dma_start3A_34 : memref<8192xi32, #tpu.memory_space<vmem>>) semaphore(%arg7 : memref<!tpu.dma_semaphore, #tpu.memory_space<semaphore_mem>>)
    %scan3A_37 = arith.constant 0 : i32
    %scan3A_38 = arith.constant 384 : i32
    %scan3A_39 = arith.constant 128 : i32
    %scan3A_40 = arith.addi %scan3A_38, %scan3A_39 : i32
    %scan3A_41 = arith.constant 1 : i32
    scf.for %scan3A_72 = %scan3A_38 to %scan3A_40 step %scan3A_41  : i32 {
      %mul3A_73 = arith.constant 64 : i32
      %mul3A_74 = arith.muli %scan3A_72, %mul3A_73 : i32
      %add3A_75 = arith.constant 0 : i32
      %add3A_76 = vector.broadcast %add3A_75 : i32 to vector<16xi32>
      %add3A_77 = arith.addi %iota3A, %add3A_76 : vector<16xi32>
      %add3A_78 = arith.constant 0 : i32
      %add3A_79 = arith.addi %mul3A_74, %add3A_78 : i32
      %get3A = arith.index_cast %add3A_79 : i32 to index
      %get3A_80 = tpu.vector_load %arg5[%get3A] {strides = array<i32>} : memref<32768xi32, #tpu.memory_space<vmem>>, vector<16xi32>,
      %get3A_81 = vector.shape_cast %get3A_80 : vector<16xi32> to vector<16xi32>
      %shift_left3A = arith.constant 6 : i32
      %shift_left3A_82 = vector.broadcast %shift_left3A : i32 to vector<16xi32>
      %shift_left3A_83 = arith.shli %get3A_81, %shift_left3A_82 : vector<16xi32>
      %add3A_84 = arith.addi %shift_left3A_83, %add3A_77 : vector<16xi32>
      %add3A_85 = arith.constant 0 : i32
      %add3A_86 = arith.addi %mul3A_74, %add3A_85 : i32
      %swap3A = arith.index_cast %add3A_86 : i32 to index
      %swap3A_87 = tpu.vector_load %arg5[%swap3A] {strides = array<i32>} : memref<32768xi32, #tpu.memory_space<vmem>>, vector<16xi32>,
      %swap3A_88 = vector.shape_cast %swap3A_87 : vector<16xi32> to vector<16xi32>
      %swap3A_89 = vector.shape_cast %add3A_84 : vector<16xi32> to vector<16xi32>
      tpu.vector_store %arg5[%swap3A], %swap3A_89 {strides = array<i32>} : memref<32768xi32, #tpu.memory_space<vmem>>, vector<16xi32>,
      %add3A_90 = arith.constant 16 : i32
      %add3A_91 = vector.broadcast %add3A_90 : i32 to vector<16xi32>
      %add3A_92 = arith.addi %iota3A, %add3A_91 : vector<16xi32>
      %add3A_93 = arith.constant 16 : i32
      %add3A_94 = arith.addi %mul3A_74, %add3A_93 : i32
      %get3A_95 = arith.index_cast %add3A_94 : i32 to index
      %get3A_96 = tpu.vector_load %arg5[%get3A_95] {strides = array<i32>} : memref<32768xi32, #tpu.memory_space<vmem>>, vector<16xi32>,
      %get3A_97 = vector.shape_cast %get3A_96 : vector<16xi32> to vector<16xi32>
      %shift_left3A_98 = arith.constant 6 : i32
      %shift_left3A_99 = vector.broadcast %shift_left3A_98 : i32 to vector<16xi32>
      %shift_left3A_100 = arith.shli %get3A_97, %shift_left3A_99 : vector<16xi32>
      %add3A_101 = arith.addi %shift_left3A_100, %add3A_92 : vector<16xi32>
      %add3A_102 = arith.constant 16 : i32
      %add3A_103 = arith.addi %mul3A_74, %add3A_102 : i32
      %swap3A_104 = arith.index_cast %add3A_103 : i32 to index
      %swap3A_105 = tpu.vector_load %arg5[%swap3A_104] {strides = array<i32>} : memref<32768xi32, #tpu.memory_space<vmem>>, vector<16xi32>,
      %swap3A_106 = vector.shape_cast %swap3A_105 : vector<16xi32> to vector<16xi32>
      %swap3A_107 = vector.shape_cast %add3A_101 : vector<16xi32> to vector<16xi32>
      tpu.vector_store %arg5[%swap3A_104], %swap3A_107 {strides = array<i32>} : memref<32768xi32, #tpu.memory_space<vmem>>, vector<16xi32>,
      %add3A_108 = arith.constant 32 : i32
      %add3A_109 = vector.broadcast %add3A_108 : i32 to vector<16xi32>
      %add3A_110 = arith.addi %iota3A, %add3A_109 : vector<16xi32>
      %add3A_111 = arith.constant 32 : i32
      %add3A_112 = arith.addi %mul3A_74, %add3A_111 : i32
      %get3A_113 = arith.index_cast %add3A_112 : i32 to index
      %get3A_114 = tpu.vector_load %arg5[%get3A_113] {strides = array<i32>} : memref<32768xi32, #tpu.memory_space<vmem>>, vector<16xi32>,
      %get3A_115 = vector.shape_cast %get3A_114 : vector<16xi32> to vector<16xi32>
      %shift_left3A_116 = arith.constant 6 : i32
      %shift_left3A_117 = vector.broadcast %shift_left3A_116 : i32 to vector<16xi32>
      %shift_left3A_118 = arith.shli %get3A_115, %shift_left3A_117 : vector<16xi32>
      %add3A_119 = arith.addi %shift_left3A_118, %add3A_110 : vector<16xi32>
      %add3A_120 = arith.constant 32 : i32
      %add3A_121 = arith.addi %mul3A_74, %add3A_120 : i32
      %swap3A_122 = arith.index_cast %add3A_121 : i32 to index
      %swap3A_123 = tpu.vector_load %arg5[%swap3A_122] {strides = array<i32>} : memref<32768xi32, #tpu.memory_space<vmem>>, vector<16xi32>,
      %swap3A_124 = vector.shape_cast %swap3A_123 : vector<16xi32> to vector<16xi32>
      %swap3A_125 = vector.shape_cast %add3A_119 : vector<16xi32> to vector<16xi32>
      tpu.vector_store %arg5[%swap3A_122], %swap3A_125 {strides = array<i32>} : memref<32768xi32, #tpu.memory_space<vmem>>, vector<16xi32>,
      %add3A_126 = arith.constant 48 : i32
      %add3A_127 = vector.broadcast %add3A_126 : i32 to vector<16xi32>
      %add3A_128 = arith.addi %iota3A, %add3A_127 : vector<16xi32>
      %add3A_129 = arith.constant 48 : i32
      %add3A_130 = arith.addi %mul3A_74, %add3A_129 : i32
      %get3A_131 = arith.index_cast %add3A_130 : i32 to index
      %get3A_132 = tpu.vector_load %arg5[%get3A_131] {strides = array<i32>} : memref<32768xi32, #tpu.memory_space<vmem>>, vector<16xi32>,
      %get3A_133 = vector.shape_cast %get3A_132 : vector<16xi32> to vector<16xi32>
      %shift_left3A_134 = arith.constant 6 : i32
      %shift_left3A_135 = vector.broadcast %shift_left3A_134 : i32 to vector<16xi32>
      %shift_left3A_136 = arith.shli %get3A_133, %shift_left3A_135 : vector<16xi32>
      %add3A_137 = arith.addi %shift_left3A_136, %add3A_128 : vector<16xi32>
      %add3A_138 = arith.constant 48 : i32
      %add3A_139 = arith.addi %mul3A_74, %add3A_138 : i32
      %swap3A_140 = arith.index_cast %add3A_139 : i32 to index
      %swap3A_141 = tpu.vector_load %arg5[%swap3A_140] {strides = array<i32>} : memref<32768xi32, #tpu.memory_space<vmem>>, vector<16xi32>,
      %swap3A_142 = vector.shape_cast %swap3A_141 : vector<16xi32> to vector<16xi32>
      %swap3A_143 = vector.shape_cast %add3A_137 : vector<16xi32> to vector<16xi32>
      tpu.vector_store %arg5[%swap3A_140], %swap3A_143 {strides = array<i32>} : memref<32768xi32, #tpu.memory_space<vmem>>, vector<16xi32>,
    }
    %scan3A_42 = arith.constant 128 : i32
    %dma_start3A_43 = arith.constant 24576 : i32
    %dma_start3A_44 = tpu.memref_slice %arg6[%dma_start3A_43] : memref<32768xf32, #tpu.memory_space<vmem>> -> memref<8192xf32, #tpu.memory_space<vmem>>
    %dma_start3A_45 = arith.constant 24576 : i32
    %dma_start3A_46 = tpu.memref_slice %arg5[%dma_start3A_45] : memref<32768xi32, #tpu.memory_space<vmem>> -> memref<8192xi32, #tpu.memory_space<vmem>>
    %dma_start3A_47 = arith.constant 0 : i32
    %dma_start3A_48 = tpu.memref_slice %arg2[%dma_start3A_47] : memref<64000000xf32, #tpu.memory_space<hbm>> -> memref<64000000xf32, #tpu.memory_space<hbm>>
    tpu.enqueue_indirect_dma source(%dma_start3A_48 : memref<64000000xf32, #tpu.memory_space<hbm>>) target(%dma_start3A_44 : memref<8192xf32, #tpu.memory_space<vmem>>) offsets(%dma_start3A_46 : memref<8192xi32, #tpu.memory_space<vmem>>) semaphore(%arg7 : memref<!tpu.dma_semaphore, #tpu.memory_space<semaphore_mem>>)
    %dma_wait3A = arith.constant 0 : i32
    %dma_wait3A_49 = tpu.memref_slice %arg6[%dma_wait3A] : memref<32768xf32, #tpu.memory_space<vmem>> -> memref<8192xf32, #tpu.memory_space<vmem>>
    %dma_wait3A_50 = arith.constant 0 : i32
    %dma_wait3A_51 = tpu.memref_slice %arg5[%dma_wait3A_50] : memref<32768xi32, #tpu.memory_space<vmem>> -> memref<8192xi32, #tpu.memory_space<vmem>>
    %dma_wait3A_52 = arith.constant 0 : i32
    %dma_wait3A_53 = tpu.memref_slice %arg2[%dma_wait3A_52] : memref<64000000xf32, #tpu.memory_space<hbm>> -> memref<64000000xf32, #tpu.memory_space<hbm>>
    tpu.wait_indirect_dma semaphore(%arg7 : memref<!tpu.dma_semaphore, #tpu.memory_space<semaphore_mem>>) src(%dma_wait3A_53 : memref<64000000xf32, #tpu.memory_space<hbm>>) dst(%dma_wait3A_49 : memref<8192xf32, #tpu.memory_space<vmem>>)
    %dma_wait3A_54 = arith.constant 8192 : i32
    %dma_wait3A_55 = tpu.memref_slice %arg6[%dma_wait3A_54] : memref<32768xf32, #tpu.memory_space<vmem>> -> memref<8192xf32, #tpu.memory_space<vmem>>
    %dma_wait3A_56 = arith.constant 8192 : i32
    %dma_wait3A_57 = tpu.memref_slice %arg5[%dma_wait3A_56] : memref<32768xi32, #tpu.memory_space<vmem>> -> memref<8192xi32, #tpu.memory_space<vmem>>
    %dma_wait3A_58 = arith.constant 0 : i32
    %dma_wait3A_59 = tpu.memref_slice %arg2[%dma_wait3A_58] : memref<64000000xf32, #tpu.memory_space<hbm>> -> memref<64000000xf32, #tpu.memory_space<hbm>>
    tpu.wait_indirect_dma semaphore(%arg7 : memref<!tpu.dma_semaphore, #tpu.memory_space<semaphore_mem>>) src(%dma_wait3A_59 : memref<64000000xf32, #tpu.memory_space<hbm>>) dst(%dma_wait3A_55 : memref<8192xf32, #tpu.memory_space<vmem>>)
    %dma_wait3A_60 = arith.constant 16384 : i32
    %dma_wait3A_61 = tpu.memref_slice %arg6[%dma_wait3A_60] : memref<32768xf32, #tpu.memory_space<vmem>> -> memref<8192xf32, #tpu.memory_space<vmem>>
    %dma_wait3A_62 = arith.constant 16384 : i32
    %dma_wait3A_63 = tpu.memref_slice %arg5[%dma_wait3A_62] : memref<32768xi32, #tpu.memory_space<vmem>> -> memref<8192xi32, #tpu.memory_space<vmem>>
    %dma_wait3A_64 = arith.constant 0 : i32
    %dma_wait3A_65 = tpu.memref_slice %arg2[%dma_wait3A_64] : memref<64000000xf32, #tpu.memory_space<hbm>> -> memref<64000000xf32, #tpu.memory_space<hbm>>
    tpu.wait_indirect_dma semaphore(%arg7 : memref<!tpu.dma_semaphore, #tpu.memory_space<semaphore_mem>>) src(%dma_wait3A_65 : memref<64000000xf32, #tpu.memory_space<hbm>>) dst(%dma_wait3A_61 : memref<8192xf32, #tpu.memory_space<vmem>>)
    %dma_wait3A_66 = arith.constant 24576 : i32
    %dma_wait3A_67 = tpu.memref_slice %arg6[%dma_wait3A_66] : memref<32768xf32, #tpu.memory_space<vmem>> -> memref<8192xf32, #tpu.memory_space<vmem>>
    %dma_wait3A_68 = arith.constant 24576 : i32
    %dma_wait3A_69 = tpu.memref_slice %arg5[%dma_wait3A_68] : memref<32768xi32, #tpu.memory_space<vmem>> -> memref<8192xi32, #tpu.memory_space<vmem>>
    %dma_wait3A_70 = arith.constant 0 : i32
    %dma_wait3A_71 = tpu.memref_slice %arg2[%dma_wait3A_70] : memref<64000000xf32, #tpu.memory_space<hbm>> -> memref<64000000xf32, #tpu.memory_space<hbm>>
    tpu.wait_indirect_dma semaphore(%arg7 : memref<!tpu.dma_semaphore, #tpu.memory_space<semaphore_mem>>) src(%dma_wait3A_71 : memref<64000000xf32, #tpu.memory_space<hbm>>) dst(%dma_wait3A_67 : memref<8192xf32, #tpu.memory_space<vmem>>)
    "tpu.region"() ({
      %run_scoped3A = tpu.sem_alloc : memref<!tpu.dma_semaphore, #tpu.memory_space<semaphore_mem>>
      %dma_start3A_72 = tpu.memref_slice %arg4[%mul3A_2] : memref<1048576xf32, #tpu.memory_space<hbm>> -> memref<32768xf32, #tpu.memory_space<hbm>>
      %dma_start3A_73 = tpu.memref_slice %arg4[%mul3A_2] : memref<1048576xf32, #tpu.memory_space<hbm>> -> memref<32768xf32, #tpu.memory_space<hbm>>
      tpu.enqueue_dma source(%arg6 : memref<32768xf32, #tpu.memory_space<vmem>>) target(%dma_start3A_73 : memref<32768xf32, #tpu.memory_space<hbm>>) target_semaphore(%run_scoped3A : memref<!tpu.dma_semaphore, #tpu.memory_space<semaphore_mem>>)
      %dma_wait3A_74 = tpu.memref_slice %arg4[%mul3A_2] : memref<1048576xf32, #tpu.memory_space<hbm>> -> memref<32768xf32, #tpu.memory_space<hbm>>
      %dma_wait3A_75 = tpu.memref_slice %arg4[%mul3A_2] : memref<1048576xf32, #tpu.memory_space<hbm>> -> memref<32768xf32, #tpu.memory_space<hbm>>
      tpu.wait_dma2 semaphore(%run_scoped3A : memref<!tpu.dma_semaphore, #tpu.memory_space<semaphore_mem>>) src(%arg6 : memref<32768xf32, #tpu.memory_space<vmem>>) dst(%dma_wait3A_75 : memref<32768xf32, #tpu.memory_space<hbm>>)
      tpu.yield
    }) : () -> ()
    return
  }
}

</mosaic_0001>

<sc_bundles>
// kernel: kernel.3.cloned.1.call-start
scs
__scs_entry_jumppad:
0x0: {  	(pc) =	sbr.rel $0x88, $3  }
0x1: {  	(tag) =	ssettag $0x0;
	lr =	simm.s32 $0x1  }
0x2: {  	[smem:$0x3F9F] =	sst lr;
	_ =	strace $0xD0000000  }
0x3: {  	_ = 	snop  }
0x4: {  	_ = 	snop  }
0x5: {  	_ = 	snop  }
0x6: {  	_ = 	snop  }
0x7: {  	_ = 	snop  }
__scs_overlays_trampoline_lowered:
0x8: {  	[smem:$0x3FAE] =	sst s0  }
0x9: {  	[smem:$0x3FAF] =	sst s1  }
0xa: {  	[smem:$0x3FB0] =	sst s2  }
0xb: {  	[smem:$0x3FB1] =	sst s3  }
0xc: {  	[smem:$0x3FB2] =	sst s4  }
0xd: {  	[smem:$0x3FB3] =	sst s5  }
0xe: {  	[smem:$0x3FB4] =	sst s6  }
0xf: {  	[smem:$0x3FB5] =	sst s7  }
0x10: {  	[smem:$0x3FB6] =	sst s8  }
0x11: {  	[smem:$0x3FB7] =	sst s9;
	s0 =	simm.s32 @!p0 $0x0  }
0x12: {  	s1 =	sld [smem:$0x3F9D];
	s0 =	simm.s32 @p0 $0x1  }
0x13: {  	[smem:$0x3FB8] =	sst s0;
	s0 =	simm.s32 @!p1 $0x0  }
0x14: {  	s2 =	sld [smem:$0x3F9C];
	s0 =	simm.s32 @p1 $0x1  }
0x15: {  	[smem:$0x3FB9] =	sst s0;
	s0 =	simm.s32 @!p2 $0x0  }
0x16: {  	s3 =	sld [smem:$0x3FDB];
	s0 =	simm.s32 @p2 $0x1  }
0x17: {  	s4 =	simm.s32 $0x1BF5;
	[smem:$0x3FBB] =	sst s0  }
0x18: {  	s0 =	sld [smem:$0x3F9E];
	_ =	swait.ge [sflag:s4], $0x0  }
0x19: {  	s7 =	sld [smem:$0x3F9F]  }
0x1a: {  	s8 =	sadd.s32 $0xFFFFE003, lr  }
0x1b: {  	s9 =	sadd.s32 $0xFFFFFEF7, lr;
	s5 =	simm.s32 $0xFFFFFFFF;
	p2 =	slt.u32 s8, $0xFFFFF086  }
0x1c: {  	p1 =	slt.u32 s9, $0xF7A;
	s5 =	simm.s32 @!p2 $0x0  }
0x1d: {  	s5 =	simm.s32 @p1 $0x1;
	p0 =	seq.s32 s7, s2  }
0x1e: {  	s7 =	smul.u32 @!p0 $0xF7A, s2;
	p2 =	seq.s32 @!p0 s5, $0x0  }
0x1f: {  	s9 =	smul.u32 $0xF7A, s1;
	s8 =	simm.s32 @!p0 $0x1BF5;
	p2 =	por !p2, p0  }
0x20: {  	[sflag:s8] =	ssyncset.s32 @!p0 $0xFFFFF086;
	s6 =	sadd.s32 @!p0 s3, s7;
	s7 =	simm.s32 @!p0 $0x108  }
0x21: {  	s3 =	sadd.s32 s3, s9;
	s6 =	sadd.s32 @!p0 $0x88, s6;
	s7 =	simm.s32 @p2 $0x1082  }
0x22: {  	[simem:s7], [sflag:s8] =	dma.local @!p0 [hbm:s6], $0xF7A  }
0x23: {  	s9 =	sor.u32 $0xD0000000, s2;
	s6 =	simm.s32 $0x108;
	_ =	swait.ge @!p0 [sflag:s8], $0x0  }
0x24: {  	s3 =	sadd.s32 $0x88, s3;
	s6 =	simm.s32 @!p1 $0x1082;
	[sflag:s4] =	ssyncset.s32 $0xFFFFF086  }
0x25: {  	[simem:s6], [sflag:s4] =	dma.local [hbm:s3], $0xF7A  }
0x26: {  	[smem:$0x3F9F] =	sst s1;
	(tag) =	ssettag s2;
	_ =	strace s9  }
0x27: {  	s1 =	sld [smem:$0x3FAF]  }
0x28: {  	s2 =	sld [smem:$0x3FB0]  }
0x29: {  	s4 =	sld [smem:$0x3FB2]  }
0x2a: {  	p0 =	seq.s32 s5, $0x0;
	s5 =	sld [smem:$0x3FB3]  }
0x2b: {  	s6 =	sld [smem:$0x3FB4]  }
0x2c: {  	s7 =	sld [smem:$0x3FB5]  }
0x2d: {  	s3 =	simm.s32 $0x108;
	s8 =	sld [smem:$0x3FB6]  }
0x2e: {  	s3 =	simm.s32 @!p0 $0x1082;
	s9 =	sld [smem:$0x3FB7]  }
0x2f: {  	lr =	sadd.s32 s0, s3;
	s0 =	sld [smem:$0x3FAE]  }
0x30: {  	s3 =	sld [smem:$0x3FB1]  }
0x31: {  	[smem:$0x3FBA] =	sst s10  }
0x32: {  	s10 =	sld [smem:$0x3FB8];
	_ =	sdelay $0x3  }
0x33: {  	p0 =	seq.s32 s10, $0x1;
	s10 =	sld [smem:$0x3FBA];
	_ =	sdelay $0x3  }
0x34: {  	[smem:$0x3FBA] =	sst s10  }
0x35: {  	s10 =	sld [smem:$0x3FB9];
	_ =	sdelay $0x3  }
0x36: {  	p1 =	seq.s32 s10, $0x1;
	s10 =	sld [smem:$0x3FBA];
	_ =	sdelay $0x3  }
0x37: {  	[smem:$0x3FBA] =	sst s10  }
0x38: {  	s10 =	sld [smem:$0x3FBB]  }
0x39: {  	_ = 	snop;
	(pc) =	sbr.ind lr, $3  }
0x3a: {  	_ = 	snop  }
0x3b: {  	_ = 	snop  }
0x3c: {  	p2 =	seq.s32 s10, $0x1;
	s10 =	sld [smem:$0x3FBA]  }
0x3d: {  	_ =	shalt  }
0x3e: {  	_ =	shalt  }
0x3f: {  	_ =	shalt  }
0x40: {  	_ =	shalt  }
0x41: {  	_ =	shalt  }
0x42: {  	_ =	shalt  }
0x43: {  	_ =	shalt  }
0x44: {  	_ =	shalt  }
0x45: {  	_ =	shalt  }
0x46: {  	_ =	shalt  }
0x47: {  	_ =	shalt  }
0x48: {  	_ =	shalt  }
0x49: {  	_ =	shalt  }
0x4a: {  	_ =	shalt  }
0x4b: {  	_ =	shalt  }
0x4c: {  	_ =	shalt  }
0x4d: {  	_ =	shalt  }
0x4e: {  	_ =	shalt  }
0x4f: {  	_ =	shalt  }
0x50: {  	_ =	shalt  }
0x51: {  	_ =	shalt  }
0x52: {  	_ =	shalt  }
0x53: {  	_ =	shalt  }
0x54: {  	_ =	shalt  }
0x55: {  	_ =	shalt  }
0x56: {  	_ =	shalt  }
0x57: {  	_ =	shalt  }
0x58: {  	_ =	shalt  }
0x59: {  	_ =	shalt  }
0x5a: {  	_ =	shalt  }
0x5b: {  	_ =	shalt  }
0x5c: {  	_ =	shalt  }
0x5d: {  	_ =	shalt  }
0x5e: {  	_ =	shalt  }
0x5f: {  	_ =	shalt  }
0x60: {  	_ =	shalt  }
0x61: {  	_ =	shalt  }
0x62: {  	_ =	shalt  }
0x63: {  	_ =	shalt  }
0x64: {  	_ =	shalt  }
0x65: {  	_ =	shalt  }
0x66: {  	_ =	shalt  }
0x67: {  	_ =	shalt  }
0x68: {  	_ =	shalt  }
0x69: {  	_ =	shalt  }
0x6a: {  	_ =	shalt  }
0x6b: {  	_ =	shalt  }
0x6c: {  	_ =	shalt  }
0x6d: {  	_ =	shalt  }
0x6e: {  	_ =	shalt  }
0x6f: {  	_ =	shalt  }
0x70: {  	_ =	shalt  }
0x71: {  	_ =	shalt  }
0x72: {  	_ =	shalt  }
0x73: {  	_ =	shalt  }
0x74: {  	_ =	shalt  }
0x75: {  	_ =	shalt  }
0x76: {  	_ =	shalt  }
0x77: {  	_ =	shalt  }
0x78: {  	_ =	shalt  }
0x79: {  	_ =	shalt  }
0x7a: {  	_ =	shalt  }
0x7b: {  	_ =	shalt  }
0x7c: {  	_ =	shalt  }
0x7d: {  	_ =	shalt  }
0x7e: {  	_ =	shalt  }
0x7f: {  	_ =	shalt  }
0x80: {  	_ =	shalt  }
0x81: {  	_ =	shalt  }
0x82: {  	_ =	shalt  }
0x83: {  	_ =	shalt  }
0x84: {  	_ =	shalt  }
0x85: {  	_ =	shalt  }
0x86: {  	_ =	shalt  }
0x87: {  	_ =	shalt  }
.Lfunc_end0:
.L_simem_size_0:
called_computation_lowered:
.L_overlay_start_0:
0x88: {  	s2 =	sld [smem:$0x3FD9]  }
0x89: {  	s3 =	sld [smem:$0x3FFE];
	_ =	sdelay $0x1  }
0x8a: {  	s1 =	srdreg.scid  }
0x8b: {  	s0 =	sand.u32 $0x1, s1  }
0x8c: {  	s17 =	sshll.u32 s0, $0xA;
	s2 =	sadd.s32 s3, s2  }
0x8d: {  	s2 =	sadd.s32 s2, s17  }
0x8e: {  	[smem:$0x3FC6] =	sst s2  }
0x8f: {  	_ = 	snop  }
0x90: {  	s2 =	sld [smem:$0x3FD0];
	(tm) =	ssettm $0x1  }
0x91: {  	s18 =	sld [smem:$0x3FFB];
	_ =	sdelay $0x3  }
0x92: {  	_ =	strace s18  }
0x93: {  	s3 =	sld [smem:$0x3FFC];
	_ =	sdelay $0x3  }
0x94: {  	_ =	strace s3  }
0x95: {  	s3 =	sld [smem:$0x3FFD];
	_ =	sdelay $0x3  }
0x96: {  	_ =	strace s3  }
0x97: {  	_ =	strace $0x8FFFFFFF  }
0x98: {  	s19 =	sld [smem:$0x3FDB];
	_ =	sdelay $0x1  }
0x99: {  	s4 =	simm.s32 $_scs_section_size  }
0x9a: {  	s5 =	simm.s32 $_size__tile_overlayer_lowered;
	s6 =	simm.s32 $_tile_overlayer_lowered  }
0x9b: {  	s22 =	simm.s32 $0x1BFF;
	s21 =	sshll.u32 s6, $0x1;
	s3 =	sadd.s32 s4, s19  }
0x9c: {  	s7 =	simm.s32 $0x0;
	s20 =	sshll.u32 s5, $0x1;
	s5 =	sadd.s32 s21, s3  }
0x9d: {  	[timem:s7], [sflag:s22] =	dma.local [hbm:s5], s20  }
0x9e: {  	_ =	swait.ge [sflag:s22], s20  }
0x9f: {  	s4 =	ssub.s32 $0x0, s20;
	[sflag:s22] =	ssyncset.done $0x0  }
0xa0: {  	[sflag:s22] =	ssyncadd.s32 s4;
	_ =	sdelay $0x1  }
0xa1: {  	s23 =	simm.s32 $0x1B8B  }
0xa2: {  	_ =	swait.ge [sflag:s23], $0x1  }
0xa3: {  	[sflag:s23] =	ssyncset.done $0x0  }
0xa4: {  	s25 =	simm.s32 $0x1B8E;
	s24 =	sld [smem:$0x3FFE];
	[sflag:s23] =	ssyncadd.s32 $0xFFFFFFFF  }
0xa5: {  	s26 =	simm.s32 $execute0_lowered;
	[smem:$0x3FD2] =	sst s25  }
0xa6: {  	s5 =	sshll.u32 s26, $0x1;
	_ =	strace $0x80000046;
	[dreg:$0x1] =	wrdreg $0xFFFFFFFF  }
0xa7: {  	s28 =	simm.s32 $_size_execute0_lowered;
	s3 =	sadd.s32 s3, s5;
	[dreg:$0x0] =	wrdreg $0x0  }
0xa8: {  	s5 =	sshll.u32 s28, $0x1;
	[dreg:$0x2] =	wrdreg s3  }
0xa9: {  	[dreg:$0x3] =	wrdreg s5  }
0xaa: {  	[dreg:$0x4] =	wrdreg $0xC0  }
0xab: {  	_ =	task [dreg:s7], $0x5FFFF  }
0xac: {  	[dreg:$0x1] =	wrdreg $0xFFFFFFFF  }
0xad: {  	[dreg:$0x0] =	wrdreg $0x60  }
0xae: {  	[dreg:$0x2] =	wrdreg s24  }
0xaf: {  	[dreg:$0x3] =	wrdreg s2  }
0xb0: {  	[dreg:$0x4] =	wrdreg $0x9  }
0xb1: {  	_ =	task.clear_ibuf [dreg:s7], $0x5FFFF;
	_ =	strace $0x90000046  }
0xb2: {  	s29 =	simm.s32 $0x9;
	_ =	strace $0x80000048  }
0xb3: {  	_ =	swait.ge [sflag:s29], $0x1  }
0xb4: {  	[sflag:s29] =	ssyncadd.s32 $0xFFFFFFFF  }
0xb5: {  	_ =	strace $0x90000048  }
0xb6: {  	_ =	sfence  }
0xb7: {  	s30 =	sld [smem:$0x0];
	_ =	sdelay $0x2  }
0xb8: {  	s31 =	sshll.u32 s1, $0xD;
	s1 =	sshrl.u32 s1, $0x2  }
0xb9: {  	s3 =	sand.u32 $0x4000, s31;
	s1 =	sadd.s32 s1, s30  }
0xba: {  	s0 =	sor.u32 s3, s0;
	s1 =	sshll.u32 s1, $0x11  }
0xbb: {  	s0 =	sor.u32 s1, s0  }
0xbc: {  	s0 =	sadd.s32 $0x8F2B, s0  }
0xbd: {  	[sflag:s0] =	ssyncadd.remote.s32 $0x1  }
0xbe: {  	_ =	sfence.sel $0xFFFF  }
0xbf: {  	[dreg:$0x0] =	wrdreg $0xFFFFFFFF;
	(pc) =	sbr.abs _section_cstart, $3  }
0xc0: {  	[dreg:$0x1] =	wrdreg $0xFFFFFFFF  }
0xc1: {  	_ =	task.clear_ibuf [dreg:s7], $0x2FFFF;
	_ =	strace $0x9FFFFFFF  }
0xc2: {  	(tm) =	ssettm $0x7FFFFFFF  }
0xc3: {  	_ =	shalt  }
tec
execute0_lowered:
.L_overlay_start_1:
0x0: {  	(tag) =	ssettag $0x1  }
0x1: {  	s4 =	rddreg [dreg:$0x0]  }
0x2: {  	s5 =	rddreg [dreg:$0x1]  }
0x3: {  	s0 =	rddreg [dreg:$0x2]  }
0x4: {  	s2 =	simm.s32 $0x0;
	s3 =	srdreg.scid;
	s1 =	stileid.u32  }
0x5: {  	s10 =	simm.s32 $0xA000;
	s11 =	simm.s32 $0x4000;
	s12 =	simm.s32 $0xC000  }
0x6: {  	s13 =	simm.s32 $0x6000;
	s14 =	simm.s32 $0xE000;
	s15 =	simm.s32 $0x1  }
0x7: {  	s16 =	simm.s32 $0x0;
	[smem:$0x7FF] =	sst s2;
	s3 =	sand.u32 $0x1, s3  }
0x8: {  	s6 =	sshll.u32 s1, $0xD;
	s7 =	sshll.u32 s3, $0xC;
	s8 =	ssub.s32 $0x2, s3  }
0x9: {  	_ =	strace $0x80000047;
	s6 =	sor.u32 s7, s6;
	s31 =	sshrl.u32 s8, $0x1  }
0xa: {  	s3 =	sadd.s32 $0xF42A00, s4;
	s9 =	sadd.s32 s6, s4;
	s7 =	ssub.s32 s8, s31  }
0xb: {  	v0 =	vlaneseq.u32;
	s4 =	sadd.s32 s5, s6;
	s8 =	simm.s32 $0x2000;
	s5 =	sadd.s32 $0x600, s9  }
0xc: {  	v1 =	vor.u32 $0x10, v0;
	v2 =	vor.u32 $0x20, v0;
	v3 =	vor.u32 $0x30, v0;
	s6 =	smax.u32 s7, $0x1;
	s7 =	simm.s32 $0x2;
	s9 =	simm.s32 $0x8000  }
.LBB2_1:
0xd: {  	[tilespmem:s2], [sflag:$0x2] =	stream.linear.gather [hbm4b:s4+s2], $0x8000, $0x38;
	[tilespmem:$0x10000] =	vst v63  }
0xe: {  	_ =	swait.ge [sflag:s7], $0x8000  }
0xf: {  	[sflag:s7] =	ssyncset.done $0x0  }
0x10: {  	s17 =	simm.s32 $0x0;
	[sflag:s7] =	ssyncadd.s32 $0xFFFF8000  }
0x11: {  	v5 =	vld [tilespmem:s17+$0x0]  }
0x12: {  	v6 =	vld [tilespmem:s17+$0x10]  }
0x13: {  	s18 =	simm.s32 $0x100;
	v4 =	vld [tilespmem:s17+$0x20]  }
.LBB2_2:
0x14: {  	p0 =	sne.s32 s18, $0x7F00;
	v7 =	vld [tilespmem:s17+$0x30];
	_ =	sdelay $0x1  }
0x15: {  	v5 =	vshll.u32 v5, $0x6  }
.Ltmp0:
0x16: {  	v5 =	vor.u32 v0, v5;
	v6 =	vshll.u32 v6, $0x6;
	(pc) =	sbr.rel @p0 .LBB2_2-.Ltmp0, $4  }
0x17: {  	s19 =	sshra.s32 s18, $0x2;
	[tilespmem:s17+$0x0] =	vst v5;
	v6 =	vor.u32 v1, v6;
	v4 =	vshll.u32 v4, $0x6  }
0x18: {  	v5 =	vld [tilespmem:s19+$0x0];
	[tilespmem:s17+$0x10] =	vst v6;
	v4 =	vor.u32 v2, v4;
	v7 =	vshll.u32 v7, $0x6  }
0x19: {  	v6 =	vld [tilespmem:s19+$0x10];
	[tilespmem:s17+$0x20] =	vst v4;
	v7 =	vor.u32 v3, v7  }
0x1a: {  	s18 =	sadd.s32 $0x100, s18;
	v4 =	vld [tilespmem:s19+$0x20];
	[tilespmem:s17+$0x30] =	vst v7;
	s17 =	smov.u32 s19  }
0x1b: {  	v7 =	vld [tilespmem:s17+$0x30];
	_ =	sdelay $0x1  }
0x1c: {  	v5 =	vshll.u32 v5, $0x6  }
0x1d: {  	v5 =	vor.u32 v0, v5;
	v6 =	vshll.u32 v6, $0x6  }
0x1e: {  	[tilespmem:s17+$0x0] =	vst v5;
	v5 =	vor.u32 v1, v6;
	v4 =	vshll.u32 v4, $0x6  }
0x1f: {  	[tilespmem:s17+$0x10] =	vst v5;
	v4 =	vor.u32 v2, v4;
	v5 =	vshll.u32 v7, $0x6  }
0x20: {  	[tilespmem:s17+$0x20] =	vst v4;
	v4 =	vor.u32 v3, v5  }
0x21: {  	s31 =	simm.s32 $0x0;
	[tilespmem:s17+$0x30] =	vst v4;
	s17 =	simm.s32 $0x0  }
0x22: {  	[tilespmem:s9], [sflag:$0x1] =	stream.indirect.gather [hbm4b:s3+s8], $0x1, s31, s8, $0xb8;
	[tilespmem:$0x10000] =	vst v63  }
0x23: {  	v5 =	vld [tilespmem:s17+$0x2000]  }
0x24: {  	v6 =	vld [tilespmem:s17+$0x2010]  }
0x25: {  	s18 =	simm.s32 $0x100;
	v4 =	vld [tilespmem:s17+$0x2020]  }
.LBB2_4:
0x26: {  	p0 =	sne.s32 s18, $0x7F00;
	v7 =	vld [tilespmem:s17+$0x2030];
	_ =	sdelay $0x1  }
0x27: {  	v5 =	vshll.u32 v5, $0x6  }
.Ltmp1:
0x28: {  	v5 =	vor.u32 v0, v5;
	v6 =	vshll.u32 v6, $0x6;
	(pc) =	sbr.rel @p0 .LBB2_4-.Ltmp1, $4  }
0x29: {  	s19 =	sshra.s32 s18, $0x2;
	[tilespmem:s17+$0x2000] =	vst v5;
	v6 =	vor.u32 v1, v6;
	v4 =	vshll.u32 v4, $0x6  }
0x2a: {  	v5 =	vld [tilespmem:s19+$0x2000];
	[tilespmem:s17+$0x2010] =	vst v6;
	v4 =	vor.u32 v2, v4;
	v7 =	vshll.u32 v7, $0x6  }
0x2b: {  	v6 =	vld [tilespmem:s19+$0x2010];
	[tilespmem:s17+$0x2020] =	vst v4;
	v7 =	vor.u32 v3, v7  }
0x2c: {  	s18 =	sadd.s32 $0x100, s18;
	v4 =	vld [tilespmem:s19+$0x2020];
	[tilespmem:s17+$0x2030] =	vst v7;
	s17 =	smov.u32 s19  }
0x2d: {  	v7 =	vld [tilespmem:s17+$0x2030];
	_ =	sdelay $0x1  }
0x2e: {  	v5 =	vshll.u32 v5, $0x6  }
0x2f: {  	v5 =	vor.u32 v0, v5;
	v6 =	vshll.u32 v6, $0x6  }
0x30: {  	[tilespmem:s17+$0x2000] =	vst v5;
	v5 =	vor.u32 v1, v6;
	v4 =	vshll.u32 v4, $0x6  }
0x31: {  	[tilespmem:s17+$0x2010] =	vst v5;
	v4 =	vor.u32 v2, v4;
	v5 =	vshll.u32 v7, $0x6  }
0x32: {  	[tilespmem:s17+$0x2020] =	vst v4;
	v4 =	vor.u32 v3, v5  }
0x33: {  	[tilespmem:s17+$0x2030] =	vst v4;
	s17 =	simm.s32 $0x0  }
0x34: {  	[tilespmem:s10], [sflag:$0x1] =	stream.indirect.gather [hbm4b:s3+s8], $0x1, s8, s8, $0xb8;
	[tilespmem:$0x10000] =	vst v63  }
0x35: {  	v5 =	vld [tilespmem:s17+$0x4000]  }
0x36: {  	v6 =	vld [tilespmem:s17+$0x4010]  }
0x37: {  	s18 =	simm.s32 $0x100;
	v4 =	vld [tilespmem:s17+$0x4020]  }
.LBB2_6:
0x38: {  	p0 =	sne.s32 s18, $0x7F00;
	v7 =	vld [tilespmem:s17+$0x4030];
	_ =	sdelay $0x1  }
0x39: {  	v5 =	vshll.u32 v5, $0x6  }
.Ltmp2:
0x3a: {  	v5 =	vor.u32 v0, v5;
	v6 =	vshll.u32 v6, $0x6;
	(pc) =	sbr.rel @p0 .LBB2_6-.Ltmp2, $4  }
0x3b: {  	s19 =	sshra.s32 s18, $0x2;
	[tilespmem:s17+$0x4000] =	vst v5;
	v6 =	vor.u32 v1, v6;
	v4 =	vshll.u32 v4, $0x6  }
0x3c: {  	v5 =	vld [tilespmem:s19+$0x4000];
	[tilespmem:s17+$0x4010] =	vst v6;
	v4 =	vor.u32 v2, v4;
	v7 =	vshll.u32 v7, $0x6  }
0x3d: {  	v6 =	vld [tilespmem:s19+$0x4010];
	[tilespmem:s17+$0x4020] =	vst v4;
	v7 =	vor.u32 v3, v7  }
0x3e: {  	s18 =	sadd.s32 $0x100, s18;
	v4 =	vld [tilespmem:s19+$0x4020];
	[tilespmem:s17+$0x4030] =	vst v7;
	s17 =	smov.u32 s19  }
0x3f: {  	v7 =	vld [tilespmem:s17+$0x4030];
	_ =	sdelay $0x1  }
0x40: {  	v5 =	vshll.u32 v5, $0x6  }
0x41: {  	v5 =	vor.u32 v0, v5;
	v6 =	vshll.u32 v6, $0x6  }
0x42: {  	[tilespmem:s17+$0x4000] =	vst v5;
	v5 =	vor.u32 v1, v6;
	v4 =	vshll.u32 v4, $0x6  }
0x43: {  	[tilespmem:s17+$0x4010] =	vst v5;
	v4 =	vor.u32 v2, v4;
	v5 =	vshll.u32 v7, $0x6  }
0x44: {  	[tilespmem:s17+$0x4020] =	vst v4;
	v4 =	vor.u32 v3, v5  }
0x45: {  	[tilespmem:s17+$0x4030] =	vst v4;
	s17 =	simm.s32 $0x0  }
0x46: {  	[tilespmem:s12], [sflag:$0x1] =	stream.indirect.gather [hbm4b:s3+s8], $0x1, s11, s8, $0xb8;
	[tilespmem:$0x10000] =	vst v63  }
0x47: {  	v5 =	vld [tilespmem:s17+$0x6000]  }
0x48: {  	v6 =	vld [tilespmem:s17+$0x6010]  }
0x49: {  	s18 =	simm.s32 $0x100;
	v4 =	vld [tilespmem:s17+$0x6020]  }
.LBB2_8:
0x4a: {  	p0 =	sne.s32 s18, $0x7F00;
	v7 =	vld [tilespmem:s17+$0x6030];
	_ =	sdelay $0x1  }
0x4b: {  	v5 =	vshll.u32 v5, $0x6  }
.Ltmp3:
0x4c: {  	v5 =	vor.u32 v0, v5;
	v6 =	vshll.u32 v6, $0x6;
	(pc) =	sbr.rel @p0 .LBB2_8-.Ltmp3, $4  }
0x4d: {  	s19 =	sshra.s32 s18, $0x2;
	[tilespmem:s17+$0x6000] =	vst v5;
	v6 =	vor.u32 v1, v6;
	v4 =	vshll.u32 v4, $0x6  }
0x4e: {  	v5 =	vld [tilespmem:s19+$0x6000];
	[tilespmem:s17+$0x6010] =	vst v6;
	v4 =	vor.u32 v2, v4;
	v7 =	vshll.u32 v7, $0x6  }
0x4f: {  	v6 =	vld [tilespmem:s19+$0x6010];
	[tilespmem:s17+$0x6020] =	vst v4;
	v7 =	vor.u32 v3, v7  }
0x50: {  	s18 =	sadd.s32 $0x100, s18;
	v4 =	vld [tilespmem:s19+$0x6020];
	[tilespmem:s17+$0x6030] =	vst v7;
	s17 =	smov.u32 s19  }
0x51: {  	v7 =	vld [tilespmem:s17+$0x6030];
	_ =	sdelay $0x1  }
0x52: {  	v5 =	vshll.u32 v5, $0x6  }
0x53: {  	v5 =	vor.u32 v0, v5;
	v6 =	vshll.u32 v6, $0x6  }
0x54: {  	[tilespmem:s17+$0x6000] =	vst v5;
	v5 =	vor.u32 v1, v6;
	v4 =	vshll.u32 v4, $0x6  }
0x55: {  	[tilespmem:s17+$0x6010] =	vst v5;
	v4 =	vor.u32 v2, v4;
	v5 =	vshll.u32 v7, $0x6  }
0x56: {  	[tilespmem:s17+$0x6020] =	vst v4;
	v4 =	vor.u32 v3, v5  }
0x57: {  	[tilespmem:s17+$0x6030] =	vst v4  }
0x58: {  	[tilespmem:s14], [sflag:$0x1] =	stream.indirect.gather [hbm4b:s3+s8], $0x1, s13, s8, $0xb8;
	[tilespmem:$0x10000] =	vst v63  }
0x59: {  	_ =	swait.ge [sflag:s15], $0x2000  }
0x5a: {  	[sflag:s15] =	ssyncset.done $0x0  }
0x5b: {  	[sflag:s15] =	ssyncadd.s32 $0xFFFFE000  }
0x5c: {  	_ =	swait.ge [sflag:s15], $0x2000  }
0x5d: {  	[sflag:s15] =	ssyncset.done $0x0  }
0x5e: {  	[sflag:s15] =	ssyncadd.s32 $0xFFFFE000  }
0x5f: {  	_ =	swait.ge [sflag:s15], $0x2000  }
0x60: {  	[sflag:s15] =	ssyncset.done $0x0  }
0x61: {  	[sflag:s15] =	ssyncadd.s32 $0xFFFFE000  }
0x62: {  	s16 =	sadd.s32 $0x1, s16;
	_ =	swait.ge [sflag:s15], $0x2000  }
0x63: {  	p0 =	sne.s32 s16, s6;
	[sflag:s15] =	ssyncset.done $0x0  }
.Ltmp4:
0x64: {  	[sflag:s15] =	ssyncadd.s32 $0xFFFFE000;
	(pc) =	sbr.rel @p0 .LBB2_1-.Ltmp4, $4  }
0x65: {  	[hbm4b:s5+s2] =	stream.linear.scatter [tilespmem:s9], [sflag:$0x2], $0x8000, $0x38;
	[tilespmem:$0x10000] =	vst v63  }
0x66: {  	_ =	swait.ge [sflag:s7], $0x8000  }
0x67: {  	[sflag:s7] =	ssyncset.done $0x0  }
0x68: {  	[sflag:s7] =	ssyncadd.s32 $0xFFFF8000  }
0x69: {  	_ =	sfence.sel $0x180000  }
0x6a: {  	[bflag:$0x0] =	sbarrier.arrive $0xFFFF  }
0x6b: {  	p0 =	sne.s32 s1, $0x0;
	_ =	strace $0x90000047  }
0x6c: {  	s0 =	sadd.s32 @!p0 $0x100000, s0;
	[bflag:$0x2] =	sbarrier.arrive $0xFFFF  }
0x6d: {  	[sflag:s0] =	ssyncadd.tile.s32 @!p0 $0x1;
	_ =	shalt  }
.Lfunc_end2:
_tile_overlayer_lowered:
.L_overlay_start_2:
0x6e: {  	(tag) =	ssettag $0x2  }
0x6f: {  	s0 =	rddreg [dreg:$0x0];
	s2 =	stileid.u32  }
0x70: {  	s1 =	rddreg [dreg:$0x1];
	p0 =	sne.s32 s2, $0x0  }
0x71: {  	s3 =	rddreg [dreg:$0x2];
	[bflag:$0x3] =	sbarrier.arrive $0xFFFF;
	s2 =	simm.s32 @!p0 $0x1C02  }
0x72: {  	[timem:s3], [sflag:s2] =	dma.local @!p0 [hbm:s0], s1  }
0x73: {  	s0 =	simm.s32 @!p0 $0x2  }
0x74: {  	_ =	swait.ge @!p0 [sflag:s0], s1  }
0x75: {  	s1 =	ssub.s32 @!p0 $0x0, s1;
	[sflag:s0] =	ssyncset.done @!p0 $0x0  }
0x76: {  	[sflag:s0] =	ssyncadd.s32 @!p0 s1  }
0x77: {  	[bflag:$0x3] =	sbarrier.arrive $0xFFFF  }
0x78: {  	_ =	shalt  }

</sc_bundles>
